<compile_context>
chip_gen: v7x
topology: tpu7x:2x2x1
jax: 0.10.2.dev20260603
libtpu: 0.0.44.dev20260713+nightly
codegen_flags: <defaults>
</compile_context>

<pallas_src>
import functools

import jax
import jax.numpy as jnp
from jax import lax
from jax.experimental import pallas as pl
from jax.experimental.pallas import tpu as pltpu
from jax.experimental.pallas import tpu_sc as plsc

_B = 4096
_D = 64
_NW = 32
_SUBROWS = 8

_TC_COLS = 3072
_SC_COLS = _B - _TC_COLS
_TC_BLK = 1024
_TC_GRID = _TC_COLS // _TC_BLK
_SC_CHUNK = _SC_COLS // (_NW // _SUBROWS)


@functools.cache
def _build_sc_partial():
    mesh = plsc.VectorSubcoreMesh(core_axis_name="c", subcore_axis_name="s")

    @functools.partial(
        pl.kernel,
        mesh=mesh,
        out_type=jax.ShapeDtypeStruct((_NW, 16), jnp.float32),
        scratch_types=[
            pltpu.VMEM((_SC_CHUNK,), jnp.float32),
            pltpu.VMEM((_SUBROWS, _SC_CHUNK), jnp.float32),
            pltpu.VMEM((_SUBROWS, _SC_CHUNK), jnp.float32),
            pltpu.VMEM((16,), jnp.float32),
            pltpu.SemaphoreType.DMA,
            pltpu.SemaphoreType.DMA,
        ],
        compiler_params=pltpu.CompilerParams(use_tc_tiling_on_sc=True),
    )
    def sc_partial(
        ids_hbm, yt_hbm, ypt_hbm, out_hbm, nv_v, y_v, yp_v, part_v, sem_y, sem_p
    ):
        wid = lax.axis_index("s") * 2 + lax.axis_index("c")
        jg = wid % _SUBROWS
        q = wid // _SUBROWS
        lbase = _TC_COLS + q * _SC_CHUNK

        cp_y = pltpu.async_copy(
            yt_hbm.at[pl.ds(jg * _SUBROWS, _SUBROWS), pl.ds(lbase, _SC_CHUNK)],
            y_v,
            sem_y,
        )
        cp_p = pltpu.async_copy(
            ypt_hbm.at[pl.ds(jg * _SUBROWS, _SUBROWS), pl.ds(lbase, _SC_CHUNK)],
            yp_v,
            sem_p,
        )
        pltpu.sync_copy(ids_hbm.at[pl.ds(lbase, _SC_CHUNK)], nv_v)

        def nv_body(c, _):
            i = nv_v[pl.ds(c * 16, 16)]
            nv_v[pl.ds(c * 16, 16)] = (
                16.0 + 8.0 * i - 4.0 * jnp.maximum(i - 5.0, 0.0)
            )
            return 0

        lax.fori_loop(0, _SC_CHUNK // 16, nv_body, 0)
        cp_y.wait()
        cp_p.wait()

        def acc_body(c, acc):
            nv16 = nv_v[pl.ds(c * 16, 16)]
            for j in range(_SUBROWS):
                feat = jnp.full((16,), jg * _SUBROWS + j, dtype=jnp.float32)
                d = y_v[j, pl.ds(c * 16, 16)] - yp_v[j, pl.ds(c * 16, 16)]
                acc = acc + jnp.where(feat < nv16, d * d, 0.0)
            return acc

        acc = lax.fori_loop(
            0, _SC_CHUNK // 16, acc_body, jnp.zeros((16,), jnp.float32)
        )
        part_v[...] = acc
        pltpu.sync_copy(part_v, out_hbm.at[wid])

    return sc_partial


def _tc_body(ids_ref, y_ref, yp_ref, out_ref):
    step = pl.program_id(0)

    ids = ids_ref[...].astype(jnp.int32)
    nv = 16 + 8 * ids - 4 * jnp.maximum(ids - 5, 0)
    nvb = jnp.broadcast_to(nv, (_D, _TC_BLK))
    feat = lax.broadcasted_iota(jnp.int32, (_D, _TC_BLK), 0)
    diff = y_ref[...] - yp_ref[...]
    part = jnp.sum(jnp.where(feat < nvb, diff * diff, 0.0))

    @pl.when(step == 0)
    def _():
        out_ref[0, 0] = 0.0

    out_ref[0, 0] += part


def _combine_body(tc_ref, sc_ref, out_ref):
    out_ref[0, 0] = (tc_ref[0, 0] + jnp.sum(sc_ref[...])) * (
        1.0 / (_B * _D)
    )


@jax.jit
def _masked_mse_hybrid(ids_f, ids1d, yt, ypt):
    sc_parts = _build_sc_partial()(ids1d, yt, ypt)
    tc_part = pl.pallas_call(
        _tc_body,
        grid=(_TC_GRID,),
        in_specs=[
            pl.BlockSpec((1, _TC_BLK), lambda i: (0, i)),
            pl.BlockSpec((_D, _TC_BLK), lambda i: (0, i)),
            pl.BlockSpec((_D, _TC_BLK), lambda i: (0, i)),
        ],
        out_specs=pl.BlockSpec(
            (1, 1), lambda i: (0, 0), memory_space=pltpu.SMEM
        ),
        out_shape=jax.ShapeDtypeStruct((1, 1), jnp.float32),
        compiler_params=pltpu.CompilerParams(
            allow_input_fusion=[True, False, False],
        ),
    )(ids_f, yt, ypt)
    out = pl.pallas_call(
        _combine_body,
        in_specs=[
            pl.BlockSpec(memory_space=pltpu.SMEM),
            pl.BlockSpec(memory_space=pltpu.VMEM),
        ],
        out_specs=pl.BlockSpec(memory_space=pltpu.SMEM),
        out_shape=jax.ShapeDtypeStruct((1, 1), jnp.float32),
    )(tc_part, sc_parts)
    return out[0, 0]


def kernel(x, y, y_pred):
    ids_f = x[:, 0, 0].reshape(1, _B)
    ids1d = x[:, 0, 0]
    return _masked_mse_hybrid(ids_f, ids1d, y.T, y_pred.T)

# --- scband reference (transcript-rebuilt; emitter-appended) ---
"""Pipeline reference for scband-device-checker-mse-loss-63926293233938 (READ-ONLY COPY).

The authoritative reference and input builder live on the scoring server;
editing this copy changes nothing except your own understanding.
"""

import jax, jax.numpy as jnp
import numpy as np

N_DEVICES = 8
OUT_DIM = 64
# Stand-in for the module's global device_id_to_n_valid_out_features mapping
DEVICE_ID_TO_N_VALID = jnp.array([16, 24, 32, 40, 48, 56, 60, 64], dtype=jnp.int32)


def setup_inputs(seed: int = 0) -> dict:
    key = jax.random.key(seed)
    k1, k2, k3 = jax.random.split(key, 3)
    # x[:, 0, 0] holds an integer device id stored as float32
    x = jax.random.randint(k1, (4096, 50, 26), 0, N_DEVICES).astype(jnp.float32)
    y = jax.random.normal(k2, (4096, OUT_DIM), dtype=jnp.float32)
    y_pred = jax.random.normal(k3, (4096, OUT_DIM), dtype=jnp.float32)
    return {"x": x, "y": y, "y_pred": y_pred}


def reference(x, y, y_pred):
    # device_ids = x[:, 0, 0]
    device_ids = x[:, 0, 0].astype(jnp.int32)
    # gather per-row number of valid output features (replaces the python
    # loop over torch.unique(device_ids) with an equivalent vectorized mask)
    n_valid = jnp.take(DEVICE_ID_TO_N_VALID, device_ids, axis=0)  # [B]
    col = jnp.arange(y.shape[1], dtype=jnp.int32)[None, :]        # [1, D]
    valid = (col < n_valid[:, None]).astype(y.dtype)              # [B, D]
    # y[mask, out_feature_num:] = 0 ; y_pred[mask, out_feature_num:] = 0
    y_m = y * valid
    y_pred_m = y_pred * valid
    # nn.MSELoss() default reduction='mean'
    return jnp.mean((y_m - y_pred_m) ** 2)

if __name__ == "__main__":
    import jax
    _d = setup_inputs()
    print(jax.jit(kernel)(*tuple(_d.values())))

</pallas_src>

<mosaic_0001>
#map = affine_map<(d0, d1) -> (0)>
#map1 = affine_map<(d0, d1) -> (0, 0)>
module attributes {stable_mosaic.version = 14 : i64} {
  func.func @sc_partial(%arg0: i32, %arg1: i32, %arg2: memref<4096xf32, #tpu.memory_space<hbm>>, %arg3: memref<64x4096xf32, #tpu.memory_space<hbm>>, %arg4: memref<64x4096xf32, #tpu.memory_space<hbm>>, %arg5: memref<32x16xf32, #tpu.memory_space<hbm>>, %arg6: memref<256xf32, #tpu.memory_space<vmem>>, %arg7: memref<8x256xf32, #tpu.memory_space<vmem>>, %arg8: memref<8x256xf32, #tpu.memory_space<vmem>>, %arg9: memref<16xf32, #tpu.memory_space<vmem>>, %arg10: memref<!tpu.dma_semaphore, #tpu.memory_space<semaphore_mem>>, %arg11: memref<!tpu.dma_semaphore, #tpu.memory_space<semaphore_mem>>) attributes {dimension_semantics = [#tpu.dimension_semantics<core_parallel>, #tpu.dimension_semantics<subcore_parallel>], iteration_bounds = array<i64: 2, 16>, scalar_prefetch = 0 : i64, scratch_operands = 6 : i64, tpu.core_type = #tpu.core_type<sc_vector_subcore>, window_params = [{transform_indices = #map}, {transform_indices = #map1}, {transform_indices = #map1}, {transform_indices = #map1}]} {
    %mul3A = arith.constant 2 : i32
    %mul3A_0 = arith.muli %arg1, %mul3A : i32
    %add3A = arith.addi %mul3A_0, %arg0 : i32
    %jit3A = arith.constant 8 : i32
    %eq3A = arith.constant 0 : i32
    %eq3A_1 = arith.cmpi eq, %jit3A, %eq3A : i32
    %jit3A_2 = arith.constant 1 : i32
    %select_n3A = arith.select %eq3A_1, %jit3A_2, %jit3A : i32
    %rem3A = arith.remsi %add3A, %select_n3A : i32
    %ne3A = arith.constant 0 : i32
    %ne3A_3 = arith.cmpi ne, %rem3A, %ne3A : i32
    %lt3A = arith.constant 0 : i32
    %lt3A_4 = arith.cmpi slt, %rem3A, %lt3A : i32
    %lt3A_5 = arith.constant 0 : i32
    %lt3A_6 = arith.cmpi slt, %select_n3A, %lt3A_5 : i32
    %ne3A_7 = arith.xori %lt3A_4, %lt3A_6 : i1
    %and3A = arith.andi %ne3A_7, %ne3A_3 : i1
    %add3A_8 = arith.addi %rem3A, %select_n3A : i32
    %select_n3A_9 = arith.select %and3A, %add3A_8, %rem3A : i32
    %jit3A_10 = arith.constant 8 : i32
    %div3A = arith.divsi %add3A, %jit3A_10 : i32
    %sign3A = arith.constant 0 : i32
    %sign3A_11 = arith.cmpi sgt, %add3A, %sign3A : i32
    %sign3A_12 = arith.extui %sign3A_11 : i1 to i32
    %sign3A_13 = arith.constant 0 : i32
    %sign3A_14 = arith.cmpi slt, %add3A, %sign3A_13 : i32
    %sign3A_15 = arith.extui %sign3A_14 : i1 to i32
    %sign3A_16 = arith.subi %sign3A_12, %sign3A_15 : i32
    %sign3A_17 = arith.constant 0 : i32
    %sign3A_18 = arith.cmpi sgt, %jit3A_10, %sign3A_17 : i32
    %sign3A_19 = arith.extui %sign3A_18 : i1 to i32
    %sign3A_20 = arith.constant 0 : i32
    %sign3A_21 = arith.cmpi slt, %jit3A_10, %sign3A_20 : i32
    %sign3A_22 = arith.extui %sign3A_21 : i1 to i32
    %sign3A_23 = arith.subi %sign3A_19, %sign3A_22 : i32
    %ne3A_24 = arith.cmpi ne, %sign3A_16, %sign3A_23 : i32
    %rem3A_25 = arith.remsi %add3A, %jit3A_10 : i32
    %ne3A_26 = arith.constant 0 : i32
    %ne3A_27 = arith.cmpi ne, %rem3A_25, %ne3A_26 : i32
    %and3A_28 = arith.andi %ne3A_24, %ne3A_27 : i1
    %sub3A = arith.constant 1 : i32
    %sub3A_29 = arith.subi %div3A, %sub3A : i32
    %select_n3A_30 = arith.select %and3A_28, %sub3A_29, %div3A : i32
    %mul3A_31 = arith.constant 256 : i32
    %mul3A_32 = arith.muli %select_n3A_30, %mul3A_31 : i32
    %add3A_33 = arith.constant 3072 : i32
    %add3A_34 = arith.addi %add3A_33, %mul3A_32 : i32
    %mul3A_35 = arith.constant 8 : i32
    %mul3A_36 = arith.muli %select_n3A_9, %mul3A_35 : i32
    %dma_start3A = tpu.memref_slice %arg3[%mul3A_36, %add3A_34] : memref<64x4096xf32, #tpu.memory_space<hbm>> -> memref<8x256xf32, #tpu.memory_space<hbm>>
    %dma_start3A_37 = tpu.memref_slice %arg3[%mul3A_36, %add3A_34] : memref<64x4096xf32, #tpu.memory_space<hbm>> -> memref<8x256xf32, #tpu.memory_space<hbm>>
    tpu.enqueue_dma source(%dma_start3A_37 : memref<8x256xf32, #tpu.memory_space<hbm>>) target(%arg7 : memref<8x256xf32, #tpu.memory_space<vmem>>) target_semaphore(%arg10 : memref<!tpu.dma_semaphore, #tpu.memory_space<semaphore_mem>>)
    %mul3A_38 = arith.constant 8 : i32
    %mul3A_39 = arith.muli %select_n3A_9, %mul3A_38 : i32
    %dma_start3A_40 = tpu.memref_slice %arg4[%mul3A_39, %add3A_34] : memref<64x4096xf32, #tpu.memory_space<hbm>> -> memref<8x256xf32, #tpu.memory_space<hbm>>
    %dma_start3A_41 = tpu.memref_slice %arg4[%mul3A_39, %add3A_34] : memref<64x4096xf32, #tpu.memory_space<hbm>> -> memref<8x256xf32, #tpu.memory_space<hbm>>
    tpu.enqueue_dma source(%dma_start3A_41 : memref<8x256xf32, #tpu.memory_space<hbm>>) target(%arg8 : memref<8x256xf32, #tpu.memory_space<vmem>>) target_semaphore(%arg11 : memref<!tpu.dma_semaphore, #tpu.memory_space<semaphore_mem>>)
    "tpu.region"() ({
      %run_scoped3A = tpu.sem_alloc : memref<!tpu.dma_semaphore, #tpu.memory_space<semaphore_mem>>
      %dma_start3A_61 = tpu.memref_slice %arg2[%add3A_34] : memref<4096xf32, #tpu.memory_space<hbm>> -> memref<256xf32, #tpu.memory_space<hbm>>
      %dma_start3A_62 = tpu.memref_slice %arg2[%add3A_34] : memref<4096xf32, #tpu.memory_space<hbm>> -> memref<256xf32, #tpu.memory_space<hbm>>
      tpu.enqueue_dma source(%dma_start3A_62 : memref<256xf32, #tpu.memory_space<hbm>>) target(%arg6 : memref<256xf32, #tpu.memory_space<vmem>>) target_semaphore(%run_scoped3A : memref<!tpu.dma_semaphore, #tpu.memory_space<semaphore_mem>>)
      %dma_wait3A_63 = tpu.memref_slice %arg2[%add3A_34] : memref<4096xf32, #tpu.memory_space<hbm>> -> memref<256xf32, #tpu.memory_space<hbm>>
      %dma_wait3A_64 = tpu.memref_slice %arg2[%add3A_34] : memref<4096xf32, #tpu.memory_space<hbm>> -> memref<256xf32, #tpu.memory_space<hbm>>
      tpu.wait_dma2 semaphore(%run_scoped3A : memref<!tpu.dma_semaphore, #tpu.memory_space<semaphore_mem>>) src(%dma_wait3A_64 : memref<256xf32, #tpu.memory_space<hbm>>) dst(%arg6 : memref<256xf32, #tpu.memory_space<vmem>>)
      tpu.yield
    }) : () -> ()
    %scan3A = arith.constant 0 : i32
    %scan3A_42 = arith.constant 0 : i32
    %scan3A_43 = arith.constant 16 : i32
    %scan3A_44 = arith.addi %scan3A_42, %scan3A_43 : i32
    %scan3A_45 = arith.constant 1 : i32
    %scan3A_46 = scf.for %scan3A_61 = %scan3A_42 to %scan3A_44 step %scan3A_45 iter_args(%scan3A_62 = %scan3A) -> (i32)  : i32 {
      %mul3A_63 = arith.constant 16 : i32
      %mul3A_64 = arith.muli %scan3A_61, %mul3A_63 : i32
      %get3A = arith.index_cast %mul3A_64 : i32 to index
      %get3A_65 = tpu.vector_load %arg6[%get3A] {strides = array<i32>} : memref<256xf32, #tpu.memory_space<vmem>>, vector<16xf32>,
      %get3A_66 = vector.shape_cast %get3A_65 : vector<16xf32> to vector<16xf32>
      %mul3A_67 = arith.constant 8.000000e+00 : f32
      %mul3A_68 = vector.broadcast %mul3A_67 : f32 to vector<16xf32>
      %mul3A_69 = arith.mulf %mul3A_68, %get3A_66 : vector<16xf32>
      %add3A_70 = arith.constant 1.600000e+01 : f32
      %add3A_71 = vector.broadcast %add3A_70 : f32 to vector<16xf32>
      %add3A_72 = arith.addf %add3A_71, %mul3A_69 : vector<16xf32>
      %sub3A_73 = arith.constant 5.000000e+00 : f32
      %sub3A_74 = vector.broadcast %sub3A_73 : f32 to vector<16xf32>
      %sub3A_75 = arith.subf %get3A_66, %sub3A_74 : vector<16xf32>
      %max3A = arith.constant 0.000000e+00 : f32
      %max3A_76 = vector.broadcast %max3A : f32 to vector<16xf32>
      %max3A_77 = arith.maximumf %sub3A_75, %max3A_76 : vector<16xf32>
      %mul3A_78 = arith.constant 4.000000e+00 : f32
      %mul3A_79 = vector.broadcast %mul3A_78 : f32 to vector<16xf32>
      %mul3A_80 = arith.mulf %mul3A_79, %max3A_77 : vector<16xf32>
      %sub3A_81 = arith.subf %add3A_72, %mul3A_80 : vector<16xf32>
      %mul3A_82 = arith.constant 16 : i32
      %mul3A_83 = arith.muli %scan3A_61, %mul3A_82 : i32
      %swap3A_84 = arith.index_cast %mul3A_83 : i32 to index
      %swap3A_85 = tpu.vector_load %arg6[%swap3A_84] {strides = array<i32>} : memref<256xf32, #tpu.memory_space<vmem>>, vector<16xf32>,
      %swap3A_86 = vector.shape_cast %swap3A_85 : vector<16xf32> to vector<16xf32>
      %swap3A_87 = vector.shape_cast %sub3A_81 : vector<16xf32> to vector<16xf32>
      tpu.vector_store %arg6[%swap3A_84], %swap3A_87 {strides = array<i32>} : memref<256xf32, #tpu.memory_space<vmem>>, vector<16xf32>,
      %scan3A_88 = arith.constant 0 : i32
      scf.yield %scan3A_88 : i32
    }
    %scan3A_47 = arith.constant 16 : i32
    %dma_wait3A = tpu.memref_slice %arg3[%mul3A_36, %add3A_34] : memref<64x4096xf32, #tpu.memory_space<hbm>> -> memref<8x256xf32, #tpu.memory_space<hbm>>
    %dma_wait3A_48 = tpu.memref_slice %arg3[%mul3A_36, %add3A_34] : memref<64x4096xf32, #tpu.memory_space<hbm>> -> memref<8x256xf32, #tpu.memory_space<hbm>>
    tpu.wait_dma2 semaphore(%arg10 : memref<!tpu.dma_semaphore, #tpu.memory_space<semaphore_mem>>) src(%dma_wait3A_48 : memref<8x256xf32, #tpu.memory_space<hbm>>) dst(%arg7 : memref<8x256xf32, #tpu.memory_space<vmem>>)
    %dma_wait3A_49 = tpu.memref_slice %arg4[%mul3A_39, %add3A_34] : memref<64x4096xf32, #tpu.memory_space<hbm>> -> memref<8x256xf32, #tpu.memory_space<hbm>>
    %dma_wait3A_50 = tpu.memref_slice %arg4[%mul3A_39, %add3A_34] : memref<64x4096xf32, #tpu.memory_space<hbm>> -> memref<8x256xf32, #tpu.memory_space<hbm>>
    tpu.wait_dma2 semaphore(%arg11 : memref<!tpu.dma_semaphore, #tpu.memory_space<semaphore_mem>>) src(%dma_wait3A_50 : memref<8x256xf32, #tpu.memory_space<hbm>>) dst(%arg8 : memref<8x256xf32, #tpu.memory_space<vmem>>)
    %broadcast_in_dim3A = arith.constant 0.000000e+00 : f32
    %broadcast_in_dim3A_51 = vector.broadcast %broadcast_in_dim3A : f32 to vector<16xf32>
    %scan3A_52 = arith.constant 0 : i32
    %scan3A_53 = arith.constant 16 : i32
    %scan3A_54 = arith.addi %scan3A_52, %scan3A_53 : i32
    %scan3A_55 = arith.constant 1 : i32
    %scan3A_56 = scf.for %scan3A_61 = %scan3A_52 to %scan3A_54 step %scan3A_55 iter_args(%scan3A_62 = %broadcast_in_dim3A_51) -> (vector<16xf32>)  : i32 {
      %mul3A_63 = arith.constant 16 : i32
      %mul3A_64 = arith.muli %scan3A_61, %mul3A_63 : i32
      %get3A = arith.index_cast %mul3A_64 : i32 to index
      %get3A_65 = tpu.vector_load %arg6[%get3A] {strides = array<i32>} : memref<256xf32, #tpu.memory_space<vmem>>, vector<16xf32>,
      %get3A_66 = vector.shape_cast %get3A_65 : vector<16xf32> to vector<16xf32>
      %mul3A_67 = arith.constant 8 : i32
      %mul3A_68 = arith.muli %select_n3A_9, %mul3A_67 : i32
      %add3A_69 = arith.constant 0 : i32
      %add3A_70 = arith.addi %mul3A_68, %add3A_69 : i32
      %convert_element_type3A = arith.sitofp %add3A_70 : i32 to f32
      %broadcast_in_dim3A_71 = vector.broadcast %convert_element_type3A : f32 to vector<16xf32>
      %mul3A_72 = arith.constant 16 : i32
      %mul3A_73 = arith.muli %scan3A_61, %mul3A_72 : i32
      %get3A_74 = arith.constant 0 : i32
      %get3A_75 = arith.index_cast %get3A_74 : i32 to index
      %get3A_76 = arith.index_cast %mul3A_73 : i32 to index
      %get3A_77 = tpu.vector_load %arg7[%get3A_75, %get3A_76] {strides = array<i32>} : memref<8x256xf32, #tpu.memory_space<vmem>>, vector<1x16xf32>,
      %get3A_78 = vector.shape_cast %get3A_77 : vector<1x16xf32> to vector<16xf32>
      %mul3A_79 = arith.constant 16 : i32
      %mul3A_80 = arith.muli %scan3A_61, %mul3A_79 : i32
      %get3A_81 = arith.constant 0 : i32
      %get3A_82 = arith.index_cast %get3A_81 : i32 to index
      %get3A_83 = arith.index_cast %mul3A_80 : i32 to index
      %get3A_84 = tpu.vector_load %arg8[%get3A_82, %get3A_83] {strides = array<i32>} : memref<8x256xf32, #tpu.memory_space<vmem>>, vector<1x16xf32>,
      %get3A_85 = vector.shape_cast %get3A_84 : vector<1x16xf32> to vector<16xf32>
      %sub3A_86 = arith.subf %get3A_78, %get3A_85 : vector<16xf32>
      %lt3A_87 = arith.cmpf olt, %broadcast_in_dim3A_71, %get3A_66 : vector<16xf32>
      %mul3A_88 = arith.mulf %sub3A_86, %sub3A_86 : vector<16xf32>
      %jit3A_89 = arith.constant 0.000000e+00 : f32
      %broadcast_in_dim3A_90 = vector.broadcast %jit3A_89 : f32 to vector<16xf32>
      %select_n3A_91 = arith.select %lt3A_87, %mul3A_88, %broadcast_in_dim3A_90 : vector<16xi1>, vector<16xf32>
      %add3A_92 = arith.addf %scan3A_62, %select_n3A_91 : vector<16xf32>
      %mul3A_93 = arith.constant 8 : i32
      %mul3A_94 = arith.muli %select_n3A_9, %mul3A_93 : i32
      %add3A_95 = arith.constant 1 : i32
      %add3A_96 = arith.addi %mul3A_94, %add3A_95 : i32
      %convert_element_type3A_97 = arith.sitofp %add3A_96 : i32 to f32
      %broadcast_in_dim3A_98 = vector.broadcast %convert_element_type3A_97 : f32 to vector<16xf32>
      %mul3A_99 = arith.constant 16 : i32
      %mul3A_100 = arith.muli %scan3A_61, %mul3A_99 : i32
      %get3A_101 = arith.constant 1 : i32
      %get3A_102 = arith.index_cast %get3A_101 : i32 to index
      %get3A_103 = arith.index_cast %mul3A_100 : i32 to index
      %get3A_104 = tpu.vector_load %arg7[%get3A_102, %get3A_103] {strides = array<i32>} : memref<8x256xf32, #tpu.memory_space<vmem>>, vector<1x16xf32>,
      %get3A_105 = vector.shape_cast %get3A_104 : vector<1x16xf32> to vector<16xf32>
      %mul3A_106 = arith.constant 16 : i32
      %mul3A_107 = arith.muli %scan3A_61, %mul3A_106 : i32
      %get3A_108 = arith.constant 1 : i32
      %get3A_109 = arith.index_cast %get3A_108 : i32 to index
      %get3A_110 = arith.index_cast %mul3A_107 : i32 to index
      %get3A_111 = tpu.vector_load %arg8[%get3A_109, %get3A_110] {strides = array<i32>} : memref<8x256xf32, #tpu.memory_space<vmem>>, vector<1x16xf32>,
      %get3A_112 = vector.shape_cast %get3A_111 : vector<1x16xf32> to vector<16xf32>
      %sub3A_113 = arith.subf %get3A_105, %get3A_112 : vector<16xf32>
      %lt3A_114 = arith.cmpf olt, %broadcast_in_dim3A_98, %get3A_66 : vector<16xf32>
      %mul3A_115 = arith.mulf %sub3A_113, %sub3A_113 : vector<16xf32>
      %jit3A_116 = arith.constant 0.000000e+00 : f32
      %broadcast_in_dim3A_117 = vector.broadcast %jit3A_116 : f32 to vector<16xf32>
      %select_n3A_118 = arith.select %lt3A_114, %mul3A_115, %broadcast_in_dim3A_117 : vector<16xi1>, vector<16xf32>
      %add3A_119 = arith.addf %add3A_92, %select_n3A_118 : vector<16xf32>
      %mul3A_120 = arith.constant 8 : i32
      %mul3A_121 = arith.muli %select_n3A_9, %mul3A_120 : i32
      %add3A_122 = arith.constant 2 : i32
      %add3A_123 = arith.addi %mul3A_121, %add3A_122 : i32
      %convert_element_type3A_124 = arith.sitofp %add3A_123 : i32 to f32
      %broadcast_in_dim3A_125 = vector.broadcast %convert_element_type3A_124 : f32 to vector<16xf32>
      %mul3A_126 = arith.constant 16 : i32
      %mul3A_127 = arith.muli %scan3A_61, %mul3A_126 : i32
      %get3A_128 = arith.constant 2 : i32
      %get3A_129 = arith.index_cast %get3A_128 : i32 to index
      %get3A_130 = arith.index_cast %mul3A_127 : i32 to index
      %get3A_131 = tpu.vector_load %arg7[%get3A_129, %get3A_130] {strides = array<i32>} : memref<8x256xf32, #tpu.memory_space<vmem>>, vector<1x16xf32>,
      %get3A_132 = vector.shape_cast %get3A_131 : vector<1x16xf32> to vector<16xf32>
      %mul3A_133 = arith.constant 16 : i32
      %mul3A_134 = arith.muli %scan3A_61, %mul3A_133 : i32
      %get3A_135 = arith.constant 2 : i32
      %get3A_136 = arith.index_cast %get3A_135 : i32 to index
      %get3A_137 = arith.index_cast %mul3A_134 : i32 to index
      %get3A_138 = tpu.vector_load %arg8[%get3A_136, %get3A_137] {strides = array<i32>} : memref<8x256xf32, #tpu.memory_space<vmem>>, vector<1x16xf32>,
      %get3A_139 = vector.shape_cast %get3A_138 : vector<1x16xf32> to vector<16xf32>
      %sub3A_140 = arith.subf %get3A_132, %get3A_139 : vector<16xf32>
      %lt3A_141 = arith.cmpf olt, %broadcast_in_dim3A_125, %get3A_66 : vector<16xf32>
      %mul3A_142 = arith.mulf %sub3A_140, %sub3A_140 : vector<16xf32>
      %jit3A_143 = arith.constant 0.000000e+00 : f32
      %broadcast_in_dim3A_144 = vector.broadcast %jit3A_143 : f32 to vector<16xf32>
      %select_n3A_145 = arith.select %lt3A_141, %mul3A_142, %broadcast_in_dim3A_144 : vector<16xi1>, vector<16xf32>
      %add3A_146 = arith.addf %add3A_119, %select_n3A_145 : vector<16xf32>
      %mul3A_147 = arith.constant 8 : i32
      %mul3A_148 = arith.muli %select_n3A_9, %mul3A_147 : i32
      %add3A_149 = arith.constant 3 : i32
      %add3A_150 = arith.addi %mul3A_148, %add3A_149 : i32
      %convert_element_type3A_151 = arith.sitofp %add3A_150 : i32 to f32
      %broadcast_in_dim3A_152 = vector.broadcast %convert_element_type3A_151 : f32 to vector<16xf32>
      %mul3A_153 = arith.constant 16 : i32
      %mul3A_154 = arith.muli %scan3A_61, %mul3A_153 : i32
      %get3A_155 = arith.constant 3 : i32
      %get3A_156 = arith.index_cast %get3A_155 : i32 to index
      %get3A_157 = arith.index_cast %mul3A_154 : i32 to index
      %get3A_158 = tpu.vector_load %arg7[%get3A_156, %get3A_157] {strides = array<i32>} : memref<8x256xf32, #tpu.memory_space<vmem>>, vector<1x16xf32>,
      %get3A_159 = vector.shape_cast %get3A_158 : vector<1x16xf32> to vector<16xf32>
      %mul3A_160 = arith.constant 16 : i32
      %mul3A_161 = arith.muli %scan3A_61, %mul3A_160 : i32
      %get3A_162 = arith.constant 3 : i32
      %get3A_163 = arith.index_cast %get3A_162 : i32 to index
      %get3A_164 = arith.index_cast %mul3A_161 : i32 to index
      %get3A_165 = tpu.vector_load %arg8[%get3A_163, %get3A_164] {strides = array<i32>} : memref<8x256xf32, #tpu.memory_space<vmem>>, vector<1x16xf32>,
      %get3A_166 = vector.shape_cast %get3A_165 : vector<1x16xf32> to vector<16xf32>
      %sub3A_167 = arith.subf %get3A_159, %get3A_166 : vector<16xf32>
      %lt3A_168 = arith.cmpf olt, %broadcast_in_dim3A_152, %get3A_66 : vector<16xf32>
      %mul3A_169 = arith.mulf %sub3A_167, %sub3A_167 : vector<16xf32>
      %jit3A_170 = arith.constant 0.000000e+00 : f32
      %broadcast_in_dim3A_171 = vector.broadcast %jit3A_170 : f32 to vector<16xf32>
      %select_n3A_172 = arith.select %lt3A_168, %mul3A_169, %broadcast_in_dim3A_171 : vector<16xi1>, vector<16xf32>
      %add3A_173 = arith.addf %add3A_146, %select_n3A_172 : vector<16xf32>
      %mul3A_174 = arith.constant 8 : i32
      %mul3A_175 = arith.muli %select_n3A_9, %mul3A_174 : i32
      %add3A_176 = arith.constant 4 : i32
      %add3A_177 = arith.addi %mul3A_175, %add3A_176 : i32
      %convert_element_type3A_178 = arith.sitofp %add3A_177 : i32 to f32
      %broadcast_in_dim3A_179 = vector.broadcast %convert_element_type3A_178 : f32 to vector<16xf32>
      %mul3A_180 = arith.constant 16 : i32
      %mul3A_181 = arith.muli %scan3A_61, %mul3A_180 : i32
      %get3A_182 = arith.constant 4 : i32
      %get3A_183 = arith.index_cast %get3A_182 : i32 to index
      %get3A_184 = arith.index_cast %mul3A_181 : i32 to index
      %get3A_185 = tpu.vector_load %arg7[%get3A_183, %get3A_184] {strides = array<i32>} : memref<8x256xf32, #tpu.memory_space<vmem>>, vector<1x16xf32>,
      %get3A_186 = vector.shape_cast %get3A_185 : vector<1x16xf32> to vector<16xf32>
      %mul3A_187 = arith.constant 16 : i32
      %mul3A_188 = arith.muli %scan3A_61, %mul3A_187 : i32
      %get3A_189 = arith.constant 4 : i32
      %get3A_190 = arith.index_cast %get3A_189 : i32 to index
      %get3A_191 = arith.index_cast %mul3A_188 : i32 to index
      %get3A_192 = tpu.vector_load %arg8[%get3A_190, %get3A_191] {strides = array<i32>} : memref<8x256xf32, #tpu.memory_space<vmem>>, vector<1x16xf32>,
      %get3A_193 = vector.shape_cast %get3A_192 : vector<1x16xf32> to vector<16xf32>
      %sub3A_194 = arith.subf %get3A_186, %get3A_193 : vector<16xf32>
      %lt3A_195 = arith.cmpf olt, %broadcast_in_dim3A_179, %get3A_66 : vector<16xf32>
      %mul3A_196 = arith.mulf %sub3A_194, %sub3A_194 : vector<16xf32>
      %jit3A_197 = arith.constant 0.000000e+00 : f32
      %broadcast_in_dim3A_198 = vector.broadcast %jit3A_197 : f32 to vector<16xf32>
      %select_n3A_199 = arith.select %lt3A_195, %mul3A_196, %broadcast_in_dim3A_198 : vector<16xi1>, vector<16xf32>
      %add3A_200 = arith.addf %add3A_173, %select_n3A_199 : vector<16xf32>
      %mul3A_201 = arith.constant 8 : i32
      %mul3A_202 = arith.muli %select_n3A_9, %mul3A_201 : i32
      %add3A_203 = arith.constant 5 : i32
      %add3A_204 = arith.addi %mul3A_202, %add3A_203 : i32
      %convert_element_type3A_205 = arith.sitofp %add3A_204 : i32 to f32
      %broadcast_in_dim3A_206 = vector.broadcast %convert_element_type3A_205 : f32 to vector<16xf32>
      %mul3A_207 = arith.constant 16 : i32
      %mul3A_208 = arith.muli %scan3A_61, %mul3A_207 : i32
      %get3A_209 = arith.constant 5 : i32
      %get3A_210 = arith.index_cast %get3A_209 : i32 to index
      %get3A_211 = arith.index_cast %mul3A_208 : i32 to index
      %get3A_212 = tpu.vector_load %arg7[%get3A_210, %get3A_211] {strides = array<i32>} : memref<8x256xf32, #tpu.memory_space<vmem>>, vector<1x16xf32>,
      %get3A_213 = vector.shape_cast %get3A_212 : vector<1x16xf32> to vector<16xf32>
      %mul3A_214 = arith.constant 16 : i32
      %mul3A_215 = arith.muli %scan3A_61, %mul3A_214 : i32
      %get3A_216 = arith.constant 5 : i32
      %get3A_217 = arith.index_cast %get3A_216 : i32 to index
      %get3A_218 = arith.index_cast %mul3A_215 : i32 to index
      %get3A_219 = tpu.vector_load %arg8[%get3A_217, %get3A_218] {strides = array<i32>} : memref<8x256xf32, #tpu.memory_space<vmem>>, vector<1x16xf32>,
      %get3A_220 = vector.shape_cast %get3A_219 : vector<1x16xf32> to vector<16xf32>
      %sub3A_221 = arith.subf %get3A_213, %get3A_220 : vector<16xf32>
      %lt3A_222 = arith.cmpf olt, %broadcast_in_dim3A_206, %get3A_66 : vector<16xf32>
      %mul3A_223 = arith.mulf %sub3A_221, %sub3A_221 : vector<16xf32>
      %jit3A_224 = arith.constant 0.000000e+00 : f32
      %broadcast_in_dim3A_225 = vector.broadcast %jit3A_224 : f32 to vector<16xf32>
      %select_n3A_226 = arith.select %lt3A_222, %mul3A_223, %broadcast_in_dim3A_225 : vector<16xi1>, vector<16xf32>
      %add3A_227 = arith.addf %add3A_200, %select_n3A_226 : vector<16xf32>
      %mul3A_228 = arith.constant 8 : i32
      %mul3A_229 = arith.muli %select_n3A_9, %mul3A_228 : i32
      %add3A_230 = arith.constant 6 : i32
      %add3A_231 = arith.addi %mul3A_229, %add3A_230 : i32
      %convert_element_type3A_232 = arith.sitofp %add3A_231 : i32 to f32
      %broadcast_in_dim3A_233 = vector.broadcast %convert_element_type3A_232 : f32 to vector<16xf32>
      %mul3A_234 = arith.constant 16 : i32
      %mul3A_235 = arith.muli %scan3A_61, %mul3A_234 : i32
      %get3A_236 = arith.constant 6 : i32
      %get3A_237 = arith.index_cast %get3A_236 : i32 to index
      %get3A_238 = arith.index_cast %mul3A_235 : i32 to index
      %get3A_239 = tpu.vector_load %arg7[%get3A_237, %get3A_238] {strides = array<i32>} : memref<8x256xf32, #tpu.memory_space<vmem>>, vector<1x16xf32>,
      %get3A_240 = vector.shape_cast %get3A_239 : vector<1x16xf32> to vector<16xf32>
      %mul3A_241 = arith.constant 16 : i32
      %mul3A_242 = arith.muli %scan3A_61, %mul3A_241 : i32
      %get3A_243 = arith.constant 6 : i32
      %get3A_244 = arith.index_cast %get3A_243 : i32 to index
      %get3A_245 = arith.index_cast %mul3A_242 : i32 to index
      %get3A_246 = tpu.vector_load %arg8[%get3A_244, %get3A_245] {strides = array<i32>} : memref<8x256xf32, #tpu.memory_space<vmem>>, vector<1x16xf32>,
      %get3A_247 = vector.shape_cast %get3A_246 : vector<1x16xf32> to vector<16xf32>
      %sub3A_248 = arith.subf %get3A_240, %get3A_247 : vector<16xf32>
      %lt3A_249 = arith.cmpf olt, %broadcast_in_dim3A_233, %get3A_66 : vector<16xf32>
      %mul3A_250 = arith.mulf %sub3A_248, %sub3A_248 : vector<16xf32>
      %jit3A_251 = arith.constant 0.000000e+00 : f32
      %broadcast_in_dim3A_252 = vector.broadcast %jit3A_251 : f32 to vector<16xf32>
      %select_n3A_253 = arith.select %lt3A_249, %mul3A_250, %broadcast_in_dim3A_252 : vector<16xi1>, vector<16xf32>
      %add3A_254 = arith.addf %add3A_227, %select_n3A_253 : vector<16xf32>
      %mul3A_255 = arith.constant 8 : i32
      %mul3A_256 = arith.muli %select_n3A_9, %mul3A_255 : i32
      %add3A_257 = arith.constant 7 : i32
      %add3A_258 = arith.addi %mul3A_256, %add3A_257 : i32
      %convert_element_type3A_259 = arith.sitofp %add3A_258 : i32 to f32
      %broadcast_in_dim3A_260 = vector.broadcast %convert_element_type3A_259 : f32 to vector<16xf32>
      %mul3A_261 = arith.constant 16 : i32
      %mul3A_262 = arith.muli %scan3A_61, %mul3A_261 : i32
      %get3A_263 = arith.constant 7 : i32
      %get3A_264 = arith.index_cast %get3A_263 : i32 to index
      %get3A_265 = arith.index_cast %mul3A_262 : i32 to index
      %get3A_266 = tpu.vector_load %arg7[%get3A_264, %get3A_265] {strides = array<i32>} : memref<8x256xf32, #tpu.memory_space<vmem>>, vector<1x16xf32>,
      %get3A_267 = vector.shape_cast %get3A_266 : vector<1x16xf32> to vector<16xf32>
      %mul3A_268 = arith.constant 16 : i32
      %mul3A_269 = arith.muli %scan3A_61, %mul3A_268 : i32
      %get3A_270 = arith.constant 7 : i32
      %get3A_271 = arith.index_cast %get3A_270 : i32 to index
      %get3A_272 = arith.index_cast %mul3A_269 : i32 to index
      %get3A_273 = tpu.vector_load %arg8[%get3A_271, %get3A_272] {strides = array<i32>} : memref<8x256xf32, #tpu.memory_space<vmem>>, vector<1x16xf32>,
      %get3A_274 = vector.shape_cast %get3A_273 : vector<1x16xf32> to vector<16xf32>
      %sub3A_275 = arith.subf %get3A_267, %get3A_274 : vector<16xf32>
      %lt3A_276 = arith.cmpf olt, %broadcast_in_dim3A_260, %get3A_66 : vector<16xf32>
      %mul3A_277 = arith.mulf %sub3A_275, %sub3A_275 : vector<16xf32>
      %jit3A_278 = arith.constant 0.000000e+00 : f32
      %broadcast_in_dim3A_279 = vector.broadcast %jit3A_278 : f32 to vector<16xf32>
      %select_n3A_280 = arith.select %lt3A_276, %mul3A_277, %broadcast_in_dim3A_279 : vector<16xi1>, vector<16xf32>
      %add3A_281 = arith.addf %add3A_254, %select_n3A_280 : vector<16xf32>
      scf.yield %add3A_281 : vector<16xf32>
    }
    %scan3A_57 = arith.constant 16 : i32
    %swap3A = arith.constant 0 : index
    %swap3A_58 = tpu.vector_load %arg9[%swap3A] {strides = array<i32>} : memref<16xf32, #tpu.memory_space<vmem>>, vector<16xf32>,
    %swap3A_59 = vector.shape_cast %swap3A_58 : vector<16xf32> to vector<16xf32>
    %swap3A_60 = vector.shape_cast %scan3A_56 : vector<16xf32> to vector<16xf32>
    tpu.vector_store %arg9[%swap3A], %swap3A_60 {strides = array<i32>} : memref<16xf32, #tpu.memory_space<vmem>>, vector<16xf32>,
    "tpu.region"() ({
      %run_scoped3A = tpu.sem_alloc : memref<!tpu.dma_semaphore, #tpu.memory_space<semaphore_mem>>
      %dma_start3A_61 = arith.constant 0 : i32
      %dma_start3A_62 = tpu.memref_slice %arg5[%add3A, %dma_start3A_61] : memref<32x16xf32, #tpu.memory_space<hbm>> -> memref<1x16xf32, #tpu.memory_space<hbm>>
      %dma_start3A_63 = tpu.memref_squeeze %dma_start3A_62 : memref<1x16xf32, #tpu.memory_space<hbm>> -> memref<16xf32, #tpu.memory_space<hbm>>
      %dma_start3A_64 = arith.constant 0 : i32
      %dma_start3A_65 = tpu.memref_slice %arg5[%add3A, %dma_start3A_64] : memref<32x16xf32, #tpu.memory_space<hbm>> -> memref<1x16xf32, #tpu.memory_space<hbm>>
      %dma_start3A_66 = tpu.memref_squeeze %dma_start3A_65 : memref<1x16xf32, #tpu.memory_space<hbm>> -> memref<16xf32, #tpu.memory_space<hbm>>
      tpu.enqueue_dma source(%arg9 : memref<16xf32, #tpu.memory_space<vmem>>) target(%dma_start3A_66 : memref<16xf32, #tpu.memory_space<hbm>>) target_semaphore(%run_scoped3A : memref<!tpu.dma_semaphore, #tpu.memory_space<semaphore_mem>>)
      %dma_wait3A_67 = arith.constant 0 : i32
      %dma_wait3A_68 = tpu.memref_slice %arg5[%add3A, %dma_wait3A_67] : memref<32x16xf32, #tpu.memory_space<hbm>> -> memref<1x16xf32, #tpu.memory_space<hbm>>
      %dma_wait3A_69 = tpu.memref_squeeze %dma_wait3A_68 : memref<1x16xf32, #tpu.memory_space<hbm>> -> memref<16xf32, #tpu.memory_space<hbm>>
      %dma_wait3A_70 = arith.constant 0 : i32
      %dma_wait3A_71 = tpu.memref_slice %arg5[%add3A, %dma_wait3A_70] : memref<32x16xf32, #tpu.memory_space<hbm>> -> memref<1x16xf32, #tpu.memory_space<hbm>>
      %dma_wait3A_72 = tpu.memref_squeeze %dma_wait3A_71 : memref<1x16xf32, #tpu.memory_space<hbm>> -> memref<16xf32, #tpu.memory_space<hbm>>
      tpu.wait_dma2 semaphore(%run_scoped3A : memref<!tpu.dma_semaphore, #tpu.memory_space<semaphore_mem>>) src(%arg9 : memref<16xf32, #tpu.memory_space<vmem>>) dst(%dma_wait3A_72 : memref<16xf32, #tpu.memory_space<hbm>>)
      tpu.yield
    }) : () -> ()
    return
  }
}

module attributes {stable_mosaic.version = 14 : i64} {
  func.func @_combine_body(%arg0: memref<1x1xf32, #tpu.memory_space<smem>>, %arg1: memref<32x16xf32, #tpu.memory_space<vmem>>, %arg2: memref<1x1xf32, #tpu.memory_space<smem>>) attributes {dimension_semantics = [], scalar_prefetch = 0 : i64, scratch_operands = 0 : i64, tpu.core_type = #tpu.core_type<tc>} {
    %get3A = arith.constant 0 : index
    %get3A_0 = arith.constant 0 : index
    %get3A_1 = memref.load %arg0[%get3A, %get3A_0] : memref<1x1xf32, #tpu.memory_space<smem>>
    %get3A_2 = arith.constant 0 : index
    %get3A_3 = arith.constant 0 : index
    %get3A_4 = vector.load %arg1[%get3A_2, %get3A_3] : memref<32x16xf32, #tpu.memory_space<vmem>>, vector<32x16xf32>
    %reduce_sum3A = vector.shape_cast %get3A_4 : vector<32x16xf32> to vector<1x32x16xf32>
    %reduce_sum3A_5 = arith.constant dense<0.000000e+00> : vector<1xf32>
    %reduce_sum3A_6 = vector.multi_reduction <add>, %reduce_sum3A, %reduce_sum3A_5 [1, 2] : vector<1x32x16xf32> to vector<1xf32>
    %reduce_sum3A_7 = vector.shape_cast %reduce_sum3A_6 : vector<1xf32> to vector<1x1x1xf32>
    %reduce_sum3A_8 = vector.extract %reduce_sum3A_7[0, 0, 0] : f32 from vector<1x1x1xf32>
    %add3A = arith.addf %get3A_1, %reduce_sum3A_8 : f32
    %mul3A = arith.constant 3.81469727E-6 : f32
    %mul3A_9 = arith.mulf %add3A, %mul3A : f32
    %swap3A = arith.constant 0 : index
    %swap3A_10 = arith.constant 0 : index
    %swap3A_11 = memref.load %arg2[%swap3A, %swap3A_10] : memref<1x1xf32, #tpu.memory_space<smem>>
    memref.store %mul3A_9, %arg2[%swap3A, %swap3A_10] : memref<1x1xf32, #tpu.memory_space<smem>>
    return
  }
}

module attributes {stable_mosaic.version = 14 : i64} {
  func.func @_tc_body(%arg0: i32, %arg1: memref<1x1024xf32, #tpu.memory_space<vmem>>, %arg2: memref<64x1024xf32, #tpu.memory_space<vmem>>, %arg3: memref<64x1024xf32, #tpu.memory_space<vmem>>, %arg4: memref<1x1xf32, #tpu.memory_space<smem>>) attributes {dimension_semantics = [#tpu.dimension_semantics<arbitrary>], iteration_bounds = array<i64: 3>, scalar_prefetch = 0 : i64, scratch_operands = 0 : i64, tpu.core_type = #tpu.core_type<tc>, window_params = [{transform_indices = @transform_0, window_bounds = array<i64: 1, 1024>}, {transform_indices = @transform_1, window_bounds = array<i64: 64, 1024>}, {transform_indices = @transform_2, window_bounds = array<i64: 64, 1024>}, {transform_indices = @transform_3, window_bounds = array<i64: 1, 1>}]} {
    %get3A = arith.constant 0 : index
    %get3A_0 = arith.constant 0 : index
    %get3A_1 = vector.load %arg1[%get3A, %get3A_0] : memref<1x1024xf32, #tpu.memory_space<vmem>>, vector<1x1024xf32>
    %convert_element_type3A = arith.fptosi %get3A_1 : vector<1x1024xf32> to vector<1x1024xi32>
    %mul3A = arith.constant 8 : i32
    %mul3A_2 = vector.broadcast %mul3A : i32 to vector<1x1024xi32>
    %mul3A_3 = arith.muli %mul3A_2, %convert_element_type3A : vector<1x1024xi32>
    %add3A = arith.constant 16 : i32
    %add3A_4 = vector.broadcast %add3A : i32 to vector<1x1024xi32>
    %add3A_5 = arith.addi %add3A_4, %mul3A_3 : vector<1x1024xi32>
    %sub3A = arith.constant 5 : i32
    %sub3A_6 = vector.broadcast %sub3A : i32 to vector<1x1024xi32>
    %sub3A_7 = arith.subi %convert_element_type3A, %sub3A_6 : vector<1x1024xi32>
    %max3A = arith.constant 0 : i32
    %max3A_8 = vector.broadcast %max3A : i32 to vector<1x1024xi32>
    %max3A_9 = arith.maxsi %sub3A_7, %max3A_8 : vector<1x1024xi32>
    %mul3A_10 = arith.constant 4 : i32
    %mul3A_11 = vector.broadcast %mul3A_10 : i32 to vector<1x1024xi32>
    %mul3A_12 = arith.muli %mul3A_11, %max3A_9 : vector<1x1024xi32>
    %sub3A_13 = arith.subi %add3A_5, %mul3A_12 : vector<1x1024xi32>
    %broadcast_in_dim3A = vector.shape_cast %sub3A_13 : vector<1x1024xi32> to vector<1x1024xi32>
    %broadcast_in_dim3A_14 = vector.broadcast %broadcast_in_dim3A : vector<1x1024xi32> to vector<64x1024xi32>
    %iota3A = tpu.iota {dimensions = array<i32: 0>} : vector<64x1024xi32>
    %get3A_15 = arith.constant 0 : index
    %get3A_16 = arith.constant 0 : index
    %get3A_17 = vector.load %arg2[%get3A_15, %get3A_16] : memref<64x1024xf32, #tpu.memory_space<vmem>>, vector<64x1024xf32>
    %get3A_18 = arith.constant 0 : index
    %get3A_19 = arith.constant 0 : index
    %get3A_20 = vector.load %arg3[%get3A_18, %get3A_19] : memref<64x1024xf32, #tpu.memory_space<vmem>>, vector<64x1024xf32>
    %sub3A_21 = arith.subf %get3A_17, %get3A_20 : vector<64x1024xf32>
    %lt3A = arith.cmpi slt, %iota3A, %broadcast_in_dim3A_14 : vector<64x1024xi32>
    %mul3A_22 = arith.mulf %sub3A_21, %sub3A_21 : vector<64x1024xf32>
    %jit3A = arith.constant 0.000000e+00 : f32
    %broadcast_in_dim3A_23 = vector.broadcast %jit3A : f32 to vector<64x1024xf32>
    %select_n3A = arith.select %lt3A, %mul3A_22, %broadcast_in_dim3A_23 : vector<64x1024xi1>, vector<64x1024xf32>
    %reduce_sum3A = vector.shape_cast %select_n3A : vector<64x1024xf32> to vector<1x64x1024xf32>
    %reduce_sum3A_24 = arith.constant dense<0.000000e+00> : vector<1xf32>
    %reduce_sum3A_25 = vector.multi_reduction <add>, %reduce_sum3A, %reduce_sum3A_24 [1, 2] : vector<1x64x1024xf32> to vector<1xf32>
    %reduce_sum3A_26 = vector.shape_cast %reduce_sum3A_25 : vector<1xf32> to vector<1x1x1xf32>
    %reduce_sum3A_27 = vector.extract %reduce_sum3A_26[0, 0, 0] : f32 from vector<1x1x1xf32>
    %eq3A = arith.constant 0 : i32
    %eq3A_28 = arith.cmpi eq, %arg0, %eq3A : i32
    %convert_element_type3A_29 = arith.extui %eq3A_28 : i1 to i32
    %cond3A = arith.constant 0 : i32
    %cond3A_30 = arith.cmpi ne, %convert_element_type3A_29, %cond3A : i32
    scf.if %cond3A_30 {
      %swap3A_37 = arith.constant 0.000000e+00 : f32
      %swap3A_38 = arith.constant 0 : index
      %swap3A_39 = arith.constant 0 : index
      %swap3A_40 = memref.load %arg4[%swap3A_38, %swap3A_39] : memref<1x1xf32, #tpu.memory_space<smem>>
      memref.store %swap3A_37, %arg4[%swap3A_38, %swap3A_39] : memref<1x1xf32, #tpu.memory_space<smem>>
    } else {
    }
    %get3A_31 = arith.constant 0 : index
    %get3A_32 = arith.constant 0 : index
    %get3A_33 = memref.load %arg4[%get3A_31, %get3A_32] : memref<1x1xf32, #tpu.memory_space<smem>>
    %add3A_34 = arith.addf %get3A_33, %reduce_sum3A_27 : f32
    %swap3A = arith.constant 0 : index
    %swap3A_35 = arith.constant 0 : index
    %swap3A_36 = memref.load %arg4[%swap3A, %swap3A_35] : memref<1x1xf32, #tpu.memory_space<smem>>
    memref.store %add3A_34, %arg4[%swap3A, %swap3A_35] : memref<1x1xf32, #tpu.memory_space<smem>>
    return
  }
  func.func @transform_0(%arg0: i32) -> (i32, i32) {
    %c0_i32 = arith.constant 0 : i32
    %c0_i32_0 = arith.constant 0 : i32
    return %c0_i32, %arg0 : i32, i32
  }
  func.func @transform_1(%arg0: i32) -> (i32, i32) {
    %c0_i32 = arith.constant 0 : i32
    %c0_i32_0 = arith.constant 0 : i32
    return %c0_i32, %arg0 : i32, i32
  }
  func.func @transform_2(%arg0: i32) -> (i32, i32) {
    %c0_i32 = arith.constant 0 : i32
    %c0_i32_0 = arith.constant 0 : i32
    return %c0_i32, %arg0 : i32, i32
  }
  func.func @transform_3(%arg0: i32) -> (i32, i32) {
    %c0_i32 = arith.constant 0 : i32
    %c0_i32_0 = arith.constant 0 : i32
    %c0_i32_1 = arith.constant 0 : i32
    return %c0_i32, %c0_i32_0 : i32, i32
  }
}

</mosaic_0001>

<sc_bundles>
// kernel: _masked_mse_hybrid.5.cloned.1.call-start
scs
__scs_entry_jumppad:
0x0: {  	(pc) =	sbr.rel $0x88, $3  }
0x1: {  	(tag) =	ssettag $0x0;
	lr =	simm.s32 $0x1  }
0x2: {  	[smem:$0x3F9D] =	sst lr;
	_ =	strace $0xD0000000  }
0x3: {  	_ = 	snop  }
0x4: {  	_ = 	snop  }
0x5: {  	_ = 	snop  }
0x6: {  	_ = 	snop  }
0x7: {  	_ = 	snop  }
__scs_overlays_trampoline_lowered:
0x8: {  	[smem:$0x3FAC] =	sst s0  }
0x9: {  	[smem:$0x3FAD] =	sst s1  }
0xa: {  	[smem:$0x3FAE] =	sst s2  }
0xb: {  	[smem:$0x3FAF] =	sst s3  }
0xc: {  	[smem:$0x3FB0] =	sst s4  }
0xd: {  	[smem:$0x3FB1] =	sst s5  }
0xe: {  	[smem:$0x3FB2] =	sst s6  }
0xf: {  	[smem:$0x3FB3] =	sst s7  }
0x10: {  	[smem:$0x3FB4] =	sst s8  }
0x11: {  	[smem:$0x3FB5] =	sst s9;
	s0 =	simm.s32 @!p0 $0x0  }
0x12: {  	s1 =	sld [smem:$0x3F9B];
	s0 =	simm.s32 @p0 $0x1  }
0x13: {  	[smem:$0x3FB6] =	sst s0;
	s0 =	simm.s32 @!p1 $0x0  }
0x14: {  	s2 =	sld [smem:$0x3F9A];
	s0 =	simm.s32 @p1 $0x1  }
0x15: {  	[smem:$0x3FB7] =	sst s0;
	s0 =	simm.s32 @!p2 $0x0  }
0x16: {  	s3 =	sld [smem:$0x3FDB];
	s0 =	simm.s32 @p2 $0x1  }
0x17: {  	s4 =	simm.s32 $0x1BF5;
	[smem:$0x3FB9] =	sst s0  }
0x18: {  	s0 =	sld [smem:$0x3F9C];
	_ =	swait.ge [sflag:s4], $0x0  }
0x19: {  	s7 =	sld [smem:$0x3F9D]  }
0x1a: {  	s8 =	sadd.s32 $0xFFFFE003, lr  }
0x1b: {  	s9 =	sadd.s32 $0xFFFFFEF7, lr;
	s5 =	simm.s32 $0xFFFFFFFF;
	p2 =	slt.u32 s8, $0xFFFFF086  }
0x1c: {  	p1 =	slt.u32 s9, $0xF7A;
	s5 =	simm.s32 @!p2 $0x0  }
0x1d: {  	s5 =	simm.s32 @p1 $0x1;
	p0 =	seq.s32 s7, s2  }
0x1e: {  	s7 =	smul.u32 @!p0 $0xF7A, s2;
	p2 =	seq.s32 @!p0 s5, $0x0  }
0x1f: {  	s9 =	smul.u32 $0xF7A, s1;
	s8 =	simm.s32 @!p0 $0x1BF5;
	p2 =	por !p2, p0  }
0x20: {  	[sflag:s8] =	ssyncset.s32 @!p0 $0xFFFFF086;
	s6 =	sadd.s32 @!p0 s3, s7;
	s7 =	simm.s32 @!p0 $0x108  }
0x21: {  	s3 =	sadd.s32 s3, s9;
	s6 =	sadd.s32 @!p0 $0x88, s6;
	s7 =	simm.s32 @p2 $0x1082  }
0x22: {  	[simem:s7], [sflag:s8] =	dma.local @!p0 [hbm:s6], $0xF7A  }
0x23: {  	s9 =	sor.u32 $0xD0000000, s2;
	s6 =	simm.s32 $0x108;
	_ =	swait.ge @!p0 [sflag:s8], $0x0  }
0x24: {  	s3 =	sadd.s32 $0x88, s3;
	s6 =	simm.s32 @!p1 $0x1082;
	[sflag:s4] =	ssyncset.s32 $0xFFFFF086  }
0x25: {  	[simem:s6], [sflag:s4] =	dma.local [hbm:s3], $0xF7A  }
0x26: {  	[smem:$0x3F9D] =	sst s1;
	(tag) =	ssettag s2;
	_ =	strace s9  }
0x27: {  	s1 =	sld [smem:$0x3FAD]  }
0x28: {  	s2 =	sld [smem:$0x3FAE]  }
0x29: {  	s4 =	sld [smem:$0x3FB0]  }
0x2a: {  	p0 =	seq.s32 s5, $0x0;
	s5 =	sld [smem:$0x3FB1]  }
0x2b: {  	s6 =	sld [smem:$0x3FB2]  }
0x2c: {  	s7 =	sld [smem:$0x3FB3]  }
0x2d: {  	s3 =	simm.s32 $0x108;
	s8 =	sld [smem:$0x3FB4]  }
0x2e: {  	s3 =	simm.s32 @!p0 $0x1082;
	s9 =	sld [smem:$0x3FB5]  }
0x2f: {  	lr =	sadd.s32 s0, s3;
	s0 =	sld [smem:$0x3FAC]  }
0x30: {  	s3 =	sld [smem:$0x3FAF]  }
0x31: {  	[smem:$0x3FB8] =	sst s10  }
0x32: {  	s10 =	sld [smem:$0x3FB6];
	_ =	sdelay $0x3  }
0x33: {  	p0 =	seq.s32 s10, $0x1;
	s10 =	sld [smem:$0x3FB8];
	_ =	sdelay $0x3  }
0x34: {  	[smem:$0x3FB8] =	sst s10  }
0x35: {  	s10 =	sld [smem:$0x3FB7];
	_ =	sdelay $0x3  }
0x36: {  	p1 =	seq.s32 s10, $0x1;
	s10 =	sld [smem:$0x3FB8];
	_ =	sdelay $0x3  }
0x37: {  	[smem:$0x3FB8] =	sst s10  }
0x38: {  	s10 =	sld [smem:$0x3FB9]  }
0x39: {  	_ = 	snop;
	(pc) =	sbr.ind lr, $3  }
0x3a: {  	_ = 	snop  }
0x3b: {  	_ = 	snop  }
0x3c: {  	p2 =	seq.s32 s10, $0x1;
	s10 =	sld [smem:$0x3FB8]  }
0x3d: {  	_ =	shalt  }
0x3e: {  	_ =	shalt  }
0x3f: {  	_ =	shalt  }
0x40: {  	_ =	shalt  }
0x41: {  	_ =	shalt  }
0x42: {  	_ =	shalt  }
0x43: {  	_ =	shalt  }
0x44: {  	_ =	shalt  }
0x45: {  	_ =	shalt  }
0x46: {  	_ =	shalt  }
0x47: {  	_ =	shalt  }
0x48: {  	_ =	shalt  }
0x49: {  	_ =	shalt  }
0x4a: {  	_ =	shalt  }
0x4b: {  	_ =	shalt  }
0x4c: {  	_ =	shalt  }
0x4d: {  	_ =	shalt  }
0x4e: {  	_ =	shalt  }
0x4f: {  	_ =	shalt  }
0x50: {  	_ =	shalt  }
0x51: {  	_ =	shalt  }
0x52: {  	_ =	shalt  }
0x53: {  	_ =	shalt  }
0x54: {  	_ =	shalt  }
0x55: {  	_ =	shalt  }
0x56: {  	_ =	shalt  }
0x57: {  	_ =	shalt  }
0x58: {  	_ =	shalt  }
0x59: {  	_ =	shalt  }
0x5a: {  	_ =	shalt  }
0x5b: {  	_ =	shalt  }
0x5c: {  	_ =	shalt  }
0x5d: {  	_ =	shalt  }
0x5e: {  	_ =	shalt  }
0x5f: {  	_ =	shalt  }
0x60: {  	_ =	shalt  }
0x61: {  	_ =	shalt  }
0x62: {  	_ =	shalt  }
0x63: {  	_ =	shalt  }
0x64: {  	_ =	shalt  }
0x65: {  	_ =	shalt  }
0x66: {  	_ =	shalt  }
0x67: {  	_ =	shalt  }
0x68: {  	_ =	shalt  }
0x69: {  	_ =	shalt  }
0x6a: {  	_ =	shalt  }
0x6b: {  	_ =	shalt  }
0x6c: {  	_ =	shalt  }
0x6d: {  	_ =	shalt  }
0x6e: {  	_ =	shalt  }
0x6f: {  	_ =	shalt  }
0x70: {  	_ =	shalt  }
0x71: {  	_ =	shalt  }
0x72: {  	_ =	shalt  }
0x73: {  	_ =	shalt  }
0x74: {  	_ =	shalt  }
0x75: {  	_ =	shalt  }
0x76: {  	_ =	shalt  }
0x77: {  	_ =	shalt  }
0x78: {  	_ =	shalt  }
0x79: {  	_ =	shalt  }
0x7a: {  	_ =	shalt  }
0x7b: {  	_ =	shalt  }
0x7c: {  	_ =	shalt  }
0x7d: {  	_ =	shalt  }
0x7e: {  	_ =	shalt  }
0x7f: {  	_ =	shalt  }
0x80: {  	_ =	shalt  }
0x81: {  	_ =	shalt  }
0x82: {  	_ =	shalt  }
0x83: {  	_ =	shalt  }
0x84: {  	_ =	shalt  }
0x85: {  	_ =	shalt  }
0x86: {  	_ =	shalt  }
0x87: {  	_ =	shalt  }
.Lfunc_end0:
.L_simem_size_0:
called_computation_lowered:
.L_overlay_start_0:
0x88: {  	s2 =	sld [smem:$0x3FD9]  }
0x89: {  	s3 =	sld [smem:$0x3FFE];
	_ =	sdelay $0x1  }
0x8a: {  	s1 =	srdreg.scid  }
0x8b: {  	s0 =	sand.u32 $0x1, s1  }
0x8c: {  	s17 =	sshll.u32 s0, $0xA;
	s2 =	sadd.s32 s3, s2  }
0x8d: {  	s2 =	sadd.s32 s2, s17  }
0x8e: {  	[smem:$0x3FC4] =	sst s2  }
0x8f: {  	_ = 	snop  }
0x90: {  	s2 =	sld [smem:$0x3FC8]  }
0x91: {  	s18 =	sld [smem:$0x3FC7]  }
0x92: {  	s4 =	sld [smem:$0x3FC6];
	(tm) =	ssettm $0x1  }
0x93: {  	s5 =	sld [smem:$0x3FFB];
	_ =	sdelay $0x3  }
0x94: {  	_ =	strace s5  }
0x95: {  	s5 =	sld [smem:$0x3FFC];
	_ =	sdelay $0x3  }
0x96: {  	_ =	strace s5  }
0x97: {  	s5 =	sld [smem:$0x3FFD];
	_ =	sdelay $0x3  }
0x98: {  	_ =	strace s5  }
0x99: {  	_ =	strace $0x8FFFFFFF  }
0x9a: {  	s19 =	sld [smem:$0x3FDB];
	_ =	sdelay $0x1  }
0x9b: {  	s6 =	simm.s32 $_scs_section_size  }
0x9c: {  	s7 =	simm.s32 $_size__tile_overlayer_lowered;
	s8 =	simm.s32 $_tile_overlayer_lowered  }
0x9d: {  	s22 =	simm.s32 $0x1BFF;
	s21 =	sshll.u32 s8, $0x1;
	s5 =	sadd.s32 s6, s19  }
0x9e: {  	s9 =	simm.s32 $0x0;
	s20 =	sshll.u32 s7, $0x1;
	s7 =	sadd.s32 s21, s5  }
0x9f: {  	[timem:s9], [sflag:s22] =	dma.local [hbm:s7], s20  }
0xa0: {  	_ =	swait.ge [sflag:s22], s20  }
0xa1: {  	s6 =	ssub.s32 $0x0, s20;
	[sflag:s22] =	ssyncset.done $0x0  }
0xa2: {  	[sflag:s22] =	ssyncadd.s32 s6;
	_ =	sdelay $0x1  }
0xa3: {  	s23 =	simm.s32 $0x1B8B  }
0xa4: {  	_ =	swait.ge [sflag:s23], $0x1  }
0xa5: {  	[sflag:s23] =	ssyncset.done $0x0  }
0xa6: {  	s25 =	simm.s32 $0x1B8E;
	s24 =	sld [smem:$0x3FFE];
	[sflag:s23] =	ssyncadd.s32 $0xFFFFFFFF  }
0xa7: {  	s26 =	simm.s32 $execute0_lowered;
	[smem:$0x3FD2] =	sst s25  }
0xa8: {  	s7 =	sshll.u32 s26, $0x1;
	_ =	strace $0x80000046;
	[dreg:$0x1] =	wrdreg $0xFFFFFFFF  }
0xa9: {  	s28 =	simm.s32 $_size_execute0_lowered;
	s5 =	sadd.s32 s5, s7;
	[dreg:$0x0] =	wrdreg $0x0  }
0xaa: {  	s7 =	sshll.u32 s28, $0x1;
	[dreg:$0x2] =	wrdreg s5  }
0xab: {  	[dreg:$0x3] =	wrdreg s7  }
0xac: {  	[dreg:$0x4] =	wrdreg $0xC0  }
0xad: {  	_ =	task [dreg:s9], $0x5FFFF  }
0xae: {  	[dreg:$0x1] =	wrdreg $0xFFFFFFFF  }
0xaf: {  	[dreg:$0x0] =	wrdreg $0x60  }
0xb0: {  	[dreg:$0x2] =	wrdreg s2  }
0xb1: {  	[dreg:$0x3] =	wrdreg s18  }
0xb2: {  	[dreg:$0x4] =	wrdreg s4  }
0xb3: {  	[dreg:$0x5] =	wrdreg s24  }
0xb4: {  	[dreg:$0x6] =	wrdreg $0x9  }
0xb5: {  	_ =	task.clear_ibuf [dreg:s9], $0x7FFFF;
	_ =	strace $0x90000046  }
0xb6: {  	s29 =	simm.s32 $0x9;
	_ =	strace $0x80000048  }
0xb7: {  	_ =	swait.ge [sflag:s29], $0x1  }
0xb8: {  	[sflag:s29] =	ssyncadd.s32 $0xFFFFFFFF  }
0xb9: {  	_ =	strace $0x90000048  }
0xba: {  	_ =	sfence  }
0xbb: {  	s30 =	sld [smem:$0x0];
	_ =	sdelay $0x2  }
0xbc: {  	s31 =	sshll.u32 s1, $0xD;
	s1 =	sshrl.u32 s1, $0x2  }
0xbd: {  	s3 =	sand.u32 $0x4000, s31;
	s1 =	sadd.s32 s1, s30  }
0xbe: {  	s0 =	sor.u32 s3, s0;
	s1 =	sshll.u32 s1, $0x11  }
0xbf: {  	s0 =	sor.u32 s1, s0  }
0xc0: {  	s0 =	sadd.s32 $0x8F2B, s0  }
0xc1: {  	[sflag:s0] =	ssyncadd.remote.s32 $0x1  }
0xc2: {  	_ =	sfence.sel $0xFFFF  }
0xc3: {  	[dreg:$0x0] =	wrdreg $0xFFFFFFFF;
	(pc) =	sbr.abs _section_cstart, $3  }
0xc4: {  	[dreg:$0x1] =	wrdreg $0xFFFFFFFF  }
0xc5: {  	_ =	task.clear_ibuf [dreg:s9], $0x2FFFF;
	_ =	strace $0x9FFFFFFF  }
0xc6: {  	(tm) =	ssettm $0x7FFFFFFF  }
0xc7: {  	_ =	shalt  }
tec
execute0_lowered:
.L_overlay_start_1:
0x0: {  	(tag) =	ssettag $0x1  }
0x1: {  	s5 =	rddreg [dreg:$0x0]  }
0x2: {  	s3 =	rddreg [dreg:$0x1]  }
0x3: {  	s4 =	rddreg [dreg:$0x2];
	s1 =	srdreg.scid  }
0x4: {  	s0 =	stileid.u32;
	s6 =	rddreg [dreg:$0x3]  }
0x5: {  	s2 =	simm.s32 $0x0;
	s7 =	sand.u32 $0x1, s1;
	s1 =	rddreg [dreg:$0x4]  }
0x6: {  	s8 =	sshll.u32 s0, $0x1;
	[smem:$0x7FF] =	sst s2  }
0x7: {  	s10 =	sshll.u32 s0, $0x6;
	s8 =	sor.u32 s7, s8;
	s7 =	ssub.s32 $0x2, s7  }
0x8: {  	s10 =	sand.u32 $0x300, s10;
	_ =	strace $0x80000047;
	s9 =	sshll.u32 s8, $0x4  }
0x9: {  	s8 =	sand.u32 $0x7, s8;
	s11 =	sshrl.u32 s7, $0x1;
	s10 =	sor.u32 $0xC00, s10  }
0xa: {  	s12 =	sshll.u32 s8, $0xC;
	s6 =	sadd.s32 s9, s6;
	s7 =	ssub.s32 s7, s11  }
0xb: {  	s28 =	sshll.u32 s8, $0x3;
	s8 =	sshllo.u32 s8, $0x3;
	s26 =	sor.u32 s10, s12  }
0xc: {  	s10 =	sshrl.u32 s10, $0x3;
	s29 =	sor.u32 $0x1, s28;
	s30 =	scvt.s32.f32 s28  }
0xd: {  	s31 =	sor.u32 $0x2, s28;
	s13 =	sor.u32 $0x3, s28;
	s14 =	sor.u32 $0x4, s28  }
0xe: {  	s15 =	sor.u32 $0x5, s28;
	s11 =	sor.u32 $0x6, s28;
	s17 =	scvt.s32.f32 s8  }
0xf: {  	s6 =	sadd.s32 $0xC00, s6;
	s7 =	smax.u32 s7, $0x1;
	s8 =	simm.s32 $0x100  }
0x10: {  	s3 =	sadd.s32 s3, s26;
	s9 =	scvt.s32.f32 s29;
	s12 =	scvt.s32.f32 s31  }
0x11: {  	s4 =	sadd.s32 s4, s26;
	s13 =	scvt.s32.f32 s13;
	s14 =	scvt.s32.f32 s14  }
0x12: {  	s5 =	sadd.s32 s5, s10;
	s15 =	scvt.s32.f32 s15;
	s16 =	scvt.s32.f32 s11;
	v0 =	vmov s30;
	v7 =	vmov s17  }
0x13: {  	s10 =	simm.s32 $0x3;
	s11 =	simm.s32 $0x1;
	v1 =	vmov s9;
	v2 =	vmov s12;
	v3 =	vmov s13;
	s9 =	simm.s32 $0x900  }
0x14: {  	v4 =	vmov s14;
	v5 =	vmov s15;
	v6 =	vmov s16;
	s12 =	simm.s32 $0x2;
	s13 =	simm.s32 $0x1100;
	s14 =	simm.s32 $0x0  }
.LBB2_1:
0x15: {  	[tilespmem:s8], [sflag:$0x1] =	stream.linear.gather [hbm4b:s3+s2], $0x800, $0x38;
	[tilespmem:$0x1180] =	vst v63  }
0x16: {  	_ = 	snop  }
0x17: {  	[tilespmem:s9], [sflag:$0x2] =	stream.linear.gather [hbm4b:s4+s2], $0x800, $0x38;
	[tilespmem:$0x1180] =	vst v63  }
0x18: {  	_ = 	snop  }
0x19: {  	[tilespmem:s2], [sflag:$0x3] =	stream.linear.gather [hbm4b:s5+s2], $0x100, $0x38;
	[tilespmem:$0x1180] =	vst v63  }
0x1a: {  	_ =	swait.ge [sflag:s10], $0x100  }
0x1b: {  	[sflag:s10] =	ssyncset.done $0x0  }
0x1c: {  	s15 =	simm.s32 $0x0;
	s16 =	simm.s32 $0x40;
	[sflag:s10] =	ssyncadd.s32 $0xFFFFFF00  }
.LBB2_2:
0x1d: {  	p0 =	sne.s32 s16, $0x3C0;
	v8 =	vld [tilespmem:s15+$0x0];
	_ =	sdelay $0x4  }
0x1e: {  	v9 =	vadd.f32 $-5.000000000e+00, v8  }
0x1f: {  	v8 =	vmul.f32 $8.000000000e+00, v8  }
0x20: {  	v9 =	vmax.f32 v9, $0.0e+00  }
.Ltmp0:
0x21: {  	v8 =	vadd.f32 $1.600000000e+01, v8;
	v9 =	vmul.f32 $-4.000000000e+00, v9;
	(pc) =	sbr.rel @p0 .LBB2_2-.Ltmp0, $3  }
0x22: {  	_ = 	snop  }
0x23: {  	v8 =	vadd.f32 v9, v8;
	_ =	sdelay $0x1  }
0x24: {  	[tilespmem:s15+$0x0] =	vst v8;
	s15 =	sshra.s32 s16, $0x2;
	s16 =	sadd.s32 $0x40, s16  }
0x25: {  	v8 =	vld [tilespmem:s15+$0x0];
	_ =	sdelay $0x4  }
0x26: {  	v9 =	vadd.f32 $-5.000000000e+00, v8  }
0x27: {  	v8 =	vmul.f32 $8.000000000e+00, v8  }
0x28: {  	v9 =	vmax.f32 v9, $0.0e+00  }
0x29: {  	v8 =	vadd.f32 $1.600000000e+01, v8;
	v9 =	vmul.f32 $-4.000000000e+00, v9;
	_ =	sdelay $0x1  }
0x2a: {  	v8 =	vadd.f32 v9, v8;
	_ =	sdelay $0x1  }
0x2b: {  	[tilespmem:s15+$0x0] =	vst v8  }
0x2c: {  	_ =	swait.ge [sflag:s11], $0x800  }
0x2d: {  	[sflag:s11] =	ssyncset.done $0x0  }
0x2e: {  	[sflag:s11] =	ssyncadd.s32 $0xFFFFF800  }
0x2f: {  	_ =	swait.ge [sflag:s12], $0x800  }
0x30: {  	s26 =	simm.s32 $0x0;
	[sflag:s12] =	ssyncset.done $0x0  }
0x31: {  	s16 =	sand.u32 $0x70, s26;
	s17 =	sand.u32 $0x400, s26;
	[sflag:s12] =	ssyncadd.s32 $0xFFFFF800  }
0x32: {  	s18 =	sand.u32 $0xFFFFFC00, s26;
	s16 =	sor.u32 s16, s17;
	v8 =	vld [tilespmem:s26+$0x0]  }
0x33: {  	s28 =	sadd.s32 $0x0, s18;
	v9 =	vld [tilespmem:s16+$0x100]  }
0x34: {  	s18 =	sor.u32 $0x80, s28;
	v10 =	vld [tilespmem:s16+$0x900]  }
0x35: {  	v11 =	vld [tilespmem:s18+$0x100]  }
0x36: {  	v12 =	vld [tilespmem:s18+$0x900]  }
0x37: {  	v13 =	vld [tilespmem:s16+$0x200]  }
0x38: {  	s29 =	sor.u32 $0x180, s28;
	v14 =	vld [tilespmem:s16+$0xA00]  }
0x39: {  	v15 =	vld [tilespmem:s29+$0x900];
	v9 =	vsub.f32 v9, v10  }
0x3a: {  	v10 =	vld [tilespmem:s29+$0x100]  }
0x3b: {  	v16 =	vld [tilespmem:s16+$0x300];
	v11 =	vsub.f32 v11, v12;
	v9 =	vmul.f32 v9, v9  }
0x3c: {  	s17 =	sor.u32 $0x280, s28;
	v17 =	vld [tilespmem:s16+$0xB00];
	v12 =	vimm.f32 $0.0e+00;
	vm0 =	vlt.f32 v0, v8  }
0x3d: {  	v18 =	vld [tilespmem:s17+$0x100];
	v13 =	vsub.f32 v13, v14;
	v11 =	vmul.f32 v11, v11;
	v9 =	vnsel vm0, $0x0, v9  }
0x3e: {  	v19 =	vld [tilespmem:s17+$0x900];
	vm13 =	vlt.f32 v1, v8;
	v9 =	vadd.f32 v9, v12  }
0x3f: {  	s15 =	sor.u32 s26, s26;
	v13 =	vmul.f32 v13, v13;
	v11 =	vnsel vm13, $0x0, v11;
	v14 =	vsub.f32 v10, v15;
	v10 =	vld [tilespmem:s16+$0x400]  }
0x40: {  	s30 =	sor.u32 $0x380, s15;
	vm14 =	vlt.f32 v2, v8;
	v12 =	vld [tilespmem:s16+$0xC00];
	v9 =	vadd.f32 v11, v9  }
0x41: {  	s15 =	simm.s32 $0x10;
	v16 =	vsub.f32 v16, v17;
	v13 =	vnsel vm14, $0x0, v13;
	s16 =	simm.s32 $0x80;
	v15 =	vmul.f32 v14, v14;
	v11 =	vld [tilespmem:s30+$0x100]  }
0x42: {  	s31 =	sand.u32 $0x70, s15;
	s18 =	simm.s32 $0x20;
	vm15 =	vlt.f32 v3, v8;
	s19 =	sand.u32 $0x400, s16;
	v14 =	vadd.f32 v13, v9;
	v13 =	vld [tilespmem:s30+$0x900]  }
0x43: {  	s20 =	sand.u32 $0xFFFFFC00, s16;
	s17 =	sor.u32 s31, s19;
	s19 =	simm.s32 $0x10;
	v9 =	vld [tilespmem:s15+$0x0];
	v17 =	vnsel vm15, $0x0, v15;
	v15 =	vmul.f32 v16, v16;
	v16 =	vsub.f32 v18, v19  }
.LBB2_4:
0x44: {  	p0 =	sne.s32 s18, $0xF0;
	v18 =	vld [tilespmem:s17+$0x100];
	s20 =	sadd.s32 s20, s15;
	v14 =	vadd.f32 v17, v14;
	vm0 =	vlt.f32 v4, v8  }
0x45: {  	v17 =	vld [tilespmem:s17+$0x900];
	s21 =	sor.u32 $0x80, s20;
	v15 =	vnsel vm0, $0x0, v15;
	v16 =	vmul.f32 v16, v16;
	v10 =	vsub.f32 v10, v12  }
0x46: {  	vm0 =	vlt.f32 v5, v8;
	v12 =	vld [tilespmem:s21+$0x100];
	v14 =	vadd.f32 v15, v14  }
0x47: {  	v15 =	vld [tilespmem:s21+$0x900];
	v16 =	vnsel vm0, $0x0, v16;
	v10 =	vmul.f32 v10, v10;
	v11 =	vsub.f32 v11, v13  }
0x48: {  	vm0 =	vlt.f32 v6, v8;
	v13 =	vld [tilespmem:s17+$0x200];
	v14 =	vadd.f32 v16, v14  }
0x49: {  	s21 =	sor.u32 $0x180, s20;
	v16 =	vld [tilespmem:s17+$0xA00];
	v10 =	vnsel vm0, $0x0, v10;
	v11 =	vmul.f32 v11, v11  }
0x4a: {  	vm0 =	vlt.f32 v7, v8;
	v8 =	vmovc v9;
	v17 =	vsub.f32 v18, v17;
	v18 =	vld [tilespmem:s21+$0x100];
	v10 =	vadd.f32 v10, v14  }
0x4b: {  	v9 =	vld [tilespmem:s21+$0x900];
	v11 =	vnsel vm0, $0x0, v11  }
0x4c: {  	v14 =	vmul.f32 v17, v17;
	v12 =	vsub.f32 v12, v15;
	v15 =	vld [tilespmem:s17+$0x300];
	v10 =	vadd.f32 v11, v10  }
0x4d: {  	s20 =	sor.u32 $0x280, s20;
	vm0 =	vlt.f32 v0, v8;
	v11 =	vld [tilespmem:s17+$0xB00]  }
0x4e: {  	v14 =	vnsel vm0, $0x0, v14;
	v12 =	vmul.f32 v12, v12;
	v13 =	vsub.f32 v13, v16;
	v16 =	vld [tilespmem:s20+$0x100]  }
0x4f: {  	vm0 =	vlt.f32 v1, v8;
	v14 =	vadd.f32 v14, v10;
	v19 =	vld [tilespmem:s20+$0x900]  }
.Ltmp1:
0x50: {  	s20 =	sor.u32 s16, s15;
	s15 =	smov.u32 s18;
	v12 =	vnsel vm0, $0x0, v12;
	v13 =	vmul.f32 v13, v13;
	v9 =	vsub.f32 v18, v9;
	v10 =	vld [tilespmem:s17+$0x400];
	(pc) =	sbr.rel @p0 .LBB2_4-.Ltmp1, $4  }
0x51: {  	vm0 =	vlt.f32 v2, v8;
	v14 =	vadd.f32 v12, v14;
	v12 =	vld [tilespmem:s17+$0xC00];
	s17 =	sor.u32 $0x380, s20  }
0x52: {  	s16 =	sadd.s32 $0x80, s16;
	v13 =	vnsel vm0, $0x0, v13;
	v17 =	vmul.f32 v9, v9;
	v15 =	vsub.f32 v15, v11;
	v11 =	vld [tilespmem:s17+$0x100]  }
0x53: {  	s19 =	sadd.s32 $0x10, s19;
	s21 =	sand.u32 $0x70, s18;
	s22 =	sand.u32 $0x400, s16;
	vm0 =	vlt.f32 v3, v8;
	v14 =	vadd.f32 v13, v14;
	v13 =	vld [tilespmem:s17+$0x900]  }
0x54: {  	s18 =	sadd.s32 $0x10, s18;
	s20 =	sand.u32 $0xFFFFFC00, s16;
	s17 =	sor.u32 s21, s22;
	v9 =	vld [tilespmem:s19+$0x0];
	v17 =	vnsel vm0, $0x0, v17;
	v15 =	vmul.f32 v15, v15;
	v16 =	vsub.f32 v16, v19  }
0x55: {  	v18 =	vld [tilespmem:s17+$0x100];
	s18 =	sadd.s32 s20, s15  }
0x56: {  	v14 =	vadd.f32 v17, v14;
	vm0 =	vlt.f32 v4, v8;
	v42 =	vld [tilespmem:s17+$0x900];
	s19 =	sor.u32 $0x80, s18  }
0x57: {  	v15 =	vnsel vm0, $0x0, v15;
	v16 =	vmul.f32 v16, v16;
	v10 =	vsub.f32 v10, v12;
	v43 =	vld [tilespmem:s19+$0x100]  }
0x58: {  	vm5 =	vlt.f32 v5, v8;
	v14 =	vadd.f32 v15, v14;
	v44 =	vld [tilespmem:s19+$0x900]  }
0x59: {  	v45 =	vld [tilespmem:s17+$0x200];
	v16 =	vnsel vm5, $0x0, v16;
	v10 =	vmul.f32 v10, v10;
	v11 =	vsub.f32 v11, v13  }
0x5a: {  	vm6 =	vlt.f32 v6, v8;
	v46 =	vld [tilespmem:s17+$0xA00];
	s30 =	sor.u32 $0x180, s18;
	v14 =	vadd.f32 v16, v14  }
0x5b: {  	v47 =	vld [tilespmem:s30+$0x100];
	v10 =	vnsel vm6, $0x0, v10;
	v11 =	vmul.f32 v11, v11;
	v17 =	vsub.f32 v18, v42  }
0x5c: {  	vm7 =	vlt.f32 v7, v8;
	v8 =	vld [tilespmem:s30+$0x900];
	v10 =	vadd.f32 v10, v14  }
0x5d: {  	v49 =	vld [tilespmem:s17+$0x300];
	v11 =	vnsel vm7, $0x0, v11;
	v48 =	vmul.f32 v17, v17;
	v12 =	vsub.f32 v43, v44  }
0x5e: {  	v50 =	vld [tilespmem:s17+$0xB00];
	s18 =	sor.u32 $0x280, s18;
	vm8 =	vlt.f32 v0, v9;
	v10 =	vadd.f32 v11, v10  }
0x5f: {  	v51 =	vld [tilespmem:s18+$0x100];
	v13 =	vsub.f32 v45, v46;
	v14 =	vnsel vm8, $0x0, v48;
	v12 =	vmul.f32 v12, v12  }
0x60: {  	v52 =	vld [tilespmem:s18+$0x900];
	vm9 =	vlt.f32 v1, v9;
	v10 =	vadd.f32 v14, v10  }
0x61: {  	v53 =	vld [tilespmem:s17+$0x400];
	s31 =	sor.u32 s16, s15;
	v13 =	vmul.f32 v13, v13;
	v8 =	vsub.f32 v47, v8;
	v12 =	vnsel vm9, $0x0, v12  }
0x62: {  	v54 =	vld [tilespmem:s17+$0xC00];
	s15 =	sor.u32 $0x380, s31;
	vm10 =	vlt.f32 v2, v9;
	v10 =	vadd.f32 v12, v10  }
0x63: {  	v55 =	vld [tilespmem:s15+$0x100];
	v11 =	vsub.f32 v49, v50;
	v13 =	vnsel vm10, $0x0, v13;
	v8 =	vmul.f32 v8, v8  }
0x64: {  	v56 =	vld [tilespmem:s15+$0x900];
	vm11 =	vlt.f32 v3, v9;
	v10 =	vadd.f32 v13, v10  }
0x65: {  	v11 =	vmul.f32 v11, v11;
	v14 =	vsub.f32 v51, v52;
	v8 =	vnsel vm11, $0x0, v8  }
0x66: {  	vm12 =	vlt.f32 v4, v9;
	v8 =	vadd.f32 v8, v10  }
0x67: {  	v57 =	vnsel vm12, $0x0, v11;
	v58 =	vmul.f32 v14, v14;
	v12 =	vsub.f32 v53, v54  }
0x68: {  	vm13 =	vlt.f32 v5, v9;
	v8 =	vadd.f32 v57, v8  }
0x69: {  	v61 =	vsub.f32 v55, v56;
	v59 =	vnsel vm13, $0x0, v58;
	v60 =	vmul.f32 v12, v12  }
0x6a: {  	vm14 =	vlt.f32 v6, v9;
	v8 =	vadd.f32 v59, v8  }
0x6b: {  	v63 =	vmul.f32 v61, v61;
	v62 =	vnsel vm14, $0x0, v60  }
0x6c: {  	vm15 =	vlt.f32 v7, v9;
	v8 =	vadd.f32 v62, v8  }
0x6d: {  	v9 =	vnsel vm15, $0x0, v63  }
0x6e: {  	s14 =	sadd.s32 $0x1, s14;
	v8 =	vadd.f32 v9, v8  }
0x6f: {  	p0 =	sne.s32 s14, s7  }
.Ltmp2:
0x70: {  	[tilespmem:$0x1100] =	vst v8;
	(pc) =	sbr.rel @p0 .LBB2_1-.Ltmp2, $4  }
0x71: {  	[hbm4b:s6+s2] =	stream.linear.scatter [tilespmem:s13], [sflag:$0x3], $0x80, $0x38;
	[tilespmem:$0x1180] =	vst v63  }
0x72: {  	_ =	swait.ge [sflag:s10], $0x80  }
0x73: {  	[sflag:s10] =	ssyncset.done $0x0  }
0x74: {  	[sflag:s10] =	ssyncadd.s32 $0xFFFFFF80  }
0x75: {  	_ =	sfence.sel $0x180000  }
0x76: {  	[bflag:$0x0] =	sbarrier.arrive $0xFFFF  }
0x77: {  	p0 =	sne.s32 s0, $0x0;
	_ =	strace $0x90000047  }
0x78: {  	s0 =	sadd.s32 @!p0 $0x100000, s1;
	[bflag:$0x2] =	sbarrier.arrive $0xFFFF  }
0x79: {  	[sflag:s0] =	ssyncadd.tile.s32 @!p0 $0x1;
	_ =	shalt  }
.Lfunc_end2:
_tile_overlayer_lowered:
.L_overlay_start_2:
0x7a: {  	(tag) =	ssettag $0x2  }
0x7b: {  	s0 =	rddreg [dreg:$0x0];
	s2 =	stileid.u32  }
0x7c: {  	s1 =	rddreg [dreg:$0x1];
	p0 =	sne.s32 s2, $0x0  }
0x7d: {  	s3 =	rddreg [dreg:$0x2];
	[bflag:$0x3] =	sbarrier.arrive $0xFFFF;
	s2 =	simm.s32 @!p0 $0x1C03  }
0x7e: {  	[timem:s3], [sflag:s2] =	dma.local @!p0 [hbm:s0], s1  }
0x7f: {  	s0 =	simm.s32 @!p0 $0x3  }
0x80: {  	_ =	swait.ge @!p0 [sflag:s0], s1  }
0x81: {  	s1 =	ssub.s32 @!p0 $0x0, s1;
	[sflag:s0] =	ssyncset.done @!p0 $0x0  }
0x82: {  	[sflag:s0] =	ssyncadd.s32 @!p0 s1  }
0x83: {  	[bflag:$0x3] =	sbarrier.arrive $0xFFFF  }
0x84: {  	_ =	shalt  }

</sc_bundles>
